<compile_context>
chip_gen: v7x
topology: tpu7x:2x2x1
jax: 0.10.2.dev20260603
libtpu: 0.0.44.dev20260713+nightly
codegen_flags: <defaults>
</compile_context>

<pallas_src>
import functools
import jax
import jax.numpy as jnp
from jax import lax
from jax.experimental import pallas as pl
from jax.experimental.pallas import tpu as pltpu
from jax.experimental.pallas import tpu_sc as plsc

NC, NS = 2, 16
NW = NC * NS
D = 64
B, S = 4096, 200
N = B * S
CI = 256
TILES = N // CI
TPW = TILES // NW
SCALE = 8.0

_mesh = plsc.VectorSubcoreMesh(
    core_axis_name="c", subcore_axis_name="s", num_cores=NC, num_subcores=NS
)


@functools.partial(
    pl.kernel,
    out_type=jax.ShapeDtypeStruct((N, D), jnp.float32),
    mesh=_mesh,
    scratch_types=[
        pltpu.VMEM((CI,), jnp.int32),
        pltpu.VMEM((CI,), jnp.int32),
        pltpu.VMEM((CI, D), jnp.float32),
        pltpu.VMEM((CI, D), jnp.float32),
        pltpu.SemaphoreType.DMA,
        pltpu.SemaphoreType.DMA,
        pltpu.SemaphoreType.DMA,
        pltpu.SemaphoreType.DMA,
    ],
    compiler_params=pltpu.CompilerParams(
        use_tc_tiling_on_sc=False, needs_layout_passes=False
    ),
)
def _gather(xf_hbm, tab_hbm, out_hbm, i0, i1, r0, r1, sg0, sg1, so0, so1):
    wid = lax.axis_index("s") * NC + lax.axis_index("c")
    idxs, rgs = (i0, i1), (r0, r1)
    sgs, sos = (sg0, sg1), (so0, so1)

    def toff(t):
        return pl.multiple_of((wid + t * NW) * CI, 8)

    def start(t, ph):
        pltpu.sync_copy(xf_hbm.at[pl.ds(toff(t), CI)], idxs[ph])
        pltpu.async_copy(tab_hbm.at[idxs[ph]], rgs[ph], sgs[ph])

    start(0, 0)

    def body(u, carry):
        for ph in range(2):
            t = 2 * u + ph

            @pl.when(t >= 1)
            def _():
                pltpu.make_async_copy(
                    rgs[1 - ph], out_hbm.at[pl.ds(toff(t - 1), CI)], sos[1 - ph]
                ).wait()

            @pl.when(t + 1 < TPW)
            def _():
                start(t + 1, 1 - ph)

            pltpu.make_async_copy(tab_hbm.at[idxs[ph]], rgs[ph], sgs[ph]).wait()
            pltpu.async_copy(rgs[ph], out_hbm.at[pl.ds(toff(t), CI)], sos[ph])
        return carry

    lax.fori_loop(0, TPW // 2, body, 0)
    pltpu.make_async_copy(
        rgs[1], out_hbm.at[pl.ds(toff(TPW - 1), CI)], sos[1]
    ).wait()


def kernel(x, table):
    xf = x.T.reshape(-1)
    out = _gather(xf, table)
    return out.reshape(S, B, D).transpose(1, 0, 2) * SCALE

# --- scband reference (transcript-rebuilt; emitter-appended) ---
"""Pipeline reference for scband-embedding-3788161155175 (READ-ONLY COPY).

The authoritative reference and input builder live on the scoring server;
editing this copy changes nothing except your own understanding.
"""

import math
import jax, jax.numpy as jnp
import numpy as np

VOCAB = 1000000
D_MODEL = 64

def setup_inputs(seed: int = 0) -> dict:
    key = jax.random.key(seed)
    k1, k2 = jax.random.split(key)
    x = jax.random.randint(k1, (4096, 200), 0, VOCAB, dtype=jnp.int64 if jax.config.read('jax_enable_x64') else jnp.int32).astype(jnp.int32)
    table = jax.random.normal(k2, (VOCAB, D_MODEL), dtype=jnp.float32) * 0.02
    return {"x": x, "table": table}

def reference(x, table):
    # emb = self.lut(x) * math.sqrt(self.d_model); dropout is identity in eval mode
    emb = jnp.take(table, x, axis=0) * math.sqrt(D_MODEL)
    return emb

if __name__ == "__main__":
    import jax
    _d = setup_inputs()
    print(jax.jit(kernel)(*tuple(_d.values())))

</pallas_src>

<mosaic_0001>
#map = affine_map<(d0, d1) -> (0)>
#map1 = affine_map<(d0, d1) -> (0, 0)>
module attributes {stable_mosaic.version = 14 : i64} {
  func.func @_gather(%arg0: i32, %arg1: i32, %arg2: memref<819200xi32, #tpu.memory_space<hbm>>, %arg3: memref<1000000x64xf32, #tpu.memory_space<hbm>>, %arg4: memref<819200x64xf32, #tpu.memory_space<hbm>>, %arg5: memref<256xi32, #tpu.memory_space<vmem>>, %arg6: memref<256xi32, #tpu.memory_space<vmem>>, %arg7: memref<256x64xf32, #tpu.memory_space<vmem>>, %arg8: memref<256x64xf32, #tpu.memory_space<vmem>>, %arg9: memref<!tpu.dma_semaphore, #tpu.memory_space<semaphore_mem>>, %arg10: memref<!tpu.dma_semaphore, #tpu.memory_space<semaphore_mem>>, %arg11: memref<!tpu.dma_semaphore, #tpu.memory_space<semaphore_mem>>, %arg12: memref<!tpu.dma_semaphore, #tpu.memory_space<semaphore_mem>>) attributes {dimension_semantics = [#tpu.dimension_semantics<core_parallel>, #tpu.dimension_semantics<subcore_parallel>], iteration_bounds = array<i64: 2, 16>, scalar_prefetch = 0 : i64, scratch_operands = 8 : i64, tpu.core_type = #tpu.core_type<sc_vector_subcore>, window_params = [{transform_indices = #map}, {transform_indices = #map1}, {transform_indices = #map1}]} {
    %mul3A = arith.constant 2 : i32
    %mul3A_0 = arith.muli %arg1, %mul3A : i32
    %add3A = arith.addi %mul3A_0, %arg0 : i32
    %add3A_1 = arith.constant 0 : i32
    %add3A_2 = arith.addi %add3A, %add3A_1 : i32
    %mul3A_3 = arith.constant 256 : i32
    %mul3A_4 = arith.muli %add3A_2, %mul3A_3 : i32
    %multiple_of3A = tpu.assume_multiple %mul3A_4, 8 : i32
    "tpu.region"() ({
      %run_scoped3A = tpu.sem_alloc : memref<!tpu.dma_semaphore, #tpu.memory_space<semaphore_mem>>
      %dma_start3A_20 = tpu.memref_slice %arg2[%multiple_of3A] : memref<819200xi32, #tpu.memory_space<hbm>> -> memref<256xi32, #tpu.memory_space<hbm>>
      %dma_start3A_21 = tpu.memref_slice %arg2[%multiple_of3A] : memref<819200xi32, #tpu.memory_space<hbm>> -> memref<256xi32, #tpu.memory_space<hbm>>
      tpu.enqueue_dma source(%dma_start3A_21 : memref<256xi32, #tpu.memory_space<hbm>>) target(%arg5 : memref<256xi32, #tpu.memory_space<vmem>>) target_semaphore(%run_scoped3A : memref<!tpu.dma_semaphore, #tpu.memory_space<semaphore_mem>>)
      %dma_wait3A_22 = tpu.memref_slice %arg2[%multiple_of3A] : memref<819200xi32, #tpu.memory_space<hbm>> -> memref<256xi32, #tpu.memory_space<hbm>>
      %dma_wait3A_23 = tpu.memref_slice %arg2[%multiple_of3A] : memref<819200xi32, #tpu.memory_space<hbm>> -> memref<256xi32, #tpu.memory_space<hbm>>
      tpu.wait_dma2 semaphore(%run_scoped3A : memref<!tpu.dma_semaphore, #tpu.memory_space<semaphore_mem>>) src(%dma_wait3A_23 : memref<256xi32, #tpu.memory_space<hbm>>) dst(%arg5 : memref<256xi32, #tpu.memory_space<vmem>>)
      tpu.yield
    }) : () -> ()
    %dma_start3A = arith.constant 0 : i32
    %dma_start3A_5 = arith.constant 0 : i32
    %dma_start3A_6 = tpu.memref_slice %arg3[%dma_start3A, %dma_start3A_5] : memref<1000000x64xf32, #tpu.memory_space<hbm>> -> memref<1000000x64xf32, #tpu.memory_space<hbm>>
    tpu.enqueue_indirect_dma source(%dma_start3A_6 : memref<1000000x64xf32, #tpu.memory_space<hbm>>) target(%arg7 : memref<256x64xf32, #tpu.memory_space<vmem>>) offsets(%arg5 : memref<256xi32, #tpu.memory_space<vmem>>) semaphore(%arg9 : memref<!tpu.dma_semaphore, #tpu.memory_space<semaphore_mem>>)
    %scan3A = arith.constant 0 : i32
    %scan3A_7 = arith.constant 0 : i32
    %scan3A_8 = arith.constant 50 : i32
    %scan3A_9 = arith.addi %scan3A_7, %scan3A_8 : i32
    %scan3A_10 = arith.constant 1 : i32
    scf.for %scan3A_20 = %scan3A_7 to %scan3A_9 step %scan3A_10  : i32 {
      %mul3A_21 = arith.constant 2 : i32
      %mul3A_22 = arith.muli %mul3A_21, %scan3A_20 : i32
      %add3A_23 = arith.constant 0 : i32
      %add3A_24 = arith.addi %mul3A_22, %add3A_23 : i32
      %ge3A = arith.constant 1 : i32
      %ge3A_25 = arith.cmpi sge, %add3A_24, %ge3A : i32
      %convert_element_type3A = arith.extui %ge3A_25 : i1 to i32
      %cond3A = arith.constant 0 : i32
      %cond3A_26 = arith.cmpi ne, %convert_element_type3A, %cond3A : i32
      scf.if %cond3A_26 {
        %sub3A = arith.constant 1 : i32
        %sub3A_75 = arith.subi %add3A_24, %sub3A : i32
        %mul3A_76 = arith.constant 32 : i32
        %mul3A_77 = arith.muli %sub3A_75, %mul3A_76 : i32
        %add3A_78 = arith.addi %add3A, %mul3A_77 : i32
        %mul3A_79 = arith.constant 256 : i32
        %mul3A_80 = arith.muli %add3A_78, %mul3A_79 : i32
        %multiple_of3A_81 = tpu.assume_multiple %mul3A_80, 8 : i32
        %dma_wait3A_82 = arith.constant 0 : i32
        %dma_wait3A_83 = tpu.memref_slice %arg4[%multiple_of3A_81, %dma_wait3A_82] : memref<819200x64xf32, #tpu.memory_space<hbm>> -> memref<256x64xf32, #tpu.memory_space<hbm>>
        %dma_wait3A_84 = arith.constant 0 : i32
        %dma_wait3A_85 = tpu.memref_slice %arg4[%multiple_of3A_81, %dma_wait3A_84] : memref<819200x64xf32, #tpu.memory_space<hbm>> -> memref<256x64xf32, #tpu.memory_space<hbm>>
        tpu.wait_dma2 semaphore(%arg12 : memref<!tpu.dma_semaphore, #tpu.memory_space<semaphore_mem>>) src(%arg8 : memref<256x64xf32, #tpu.memory_space<vmem>>) dst(%dma_wait3A_85 : memref<256x64xf32, #tpu.memory_space<hbm>>)
      } else {
      }
      %add3A_27 = arith.constant 1 : i32
      %add3A_28 = arith.addi %add3A_24, %add3A_27 : i32
      %lt3A = arith.constant 100 : i32
      %lt3A_29 = arith.cmpi slt, %add3A_28, %lt3A : i32
      %convert_element_type3A_30 = arith.extui %lt3A_29 : i1 to i32
      %cond3A_31 = arith.constant 0 : i32
      %cond3A_32 = arith.cmpi ne, %convert_element_type3A_30, %cond3A_31 : i32
      scf.if %cond3A_32 {
        %add3A_75 = arith.constant 1 : i32
        %add3A_76 = arith.addi %add3A_24, %add3A_75 : i32
        %mul3A_77 = arith.constant 32 : i32
        %mul3A_78 = arith.muli %add3A_76, %mul3A_77 : i32
        %add3A_79 = arith.addi %add3A, %mul3A_78 : i32
        %mul3A_80 = arith.constant 256 : i32
        %mul3A_81 = arith.muli %add3A_79, %mul3A_80 : i32
        %multiple_of3A_82 = tpu.assume_multiple %mul3A_81, 8 : i32
        "tpu.region"() ({
          %run_scoped3A = tpu.sem_alloc : memref<!tpu.dma_semaphore, #tpu.memory_space<semaphore_mem>>
          %dma_start3A_86 = tpu.memref_slice %arg2[%multiple_of3A_82] : memref<819200xi32, #tpu.memory_space<hbm>> -> memref<256xi32, #tpu.memory_space<hbm>>
          %dma_start3A_87 = tpu.memref_slice %arg2[%multiple_of3A_82] : memref<819200xi32, #tpu.memory_space<hbm>> -> memref<256xi32, #tpu.memory_space<hbm>>
          tpu.enqueue_dma source(%dma_start3A_87 : memref<256xi32, #tpu.memory_space<hbm>>) target(%arg6 : memref<256xi32, #tpu.memory_space<vmem>>) target_semaphore(%run_scoped3A : memref<!tpu.dma_semaphore, #tpu.memory_space<semaphore_mem>>)
          %dma_wait3A_88 = tpu.memref_slice %arg2[%multiple_of3A_82] : memref<819200xi32, #tpu.memory_space<hbm>> -> memref<256xi32, #tpu.memory_space<hbm>>
          %dma_wait3A_89 = tpu.memref_slice %arg2[%multiple_of3A_82] : memref<819200xi32, #tpu.memory_space<hbm>> -> memref<256xi32, #tpu.memory_space<hbm>>
          tpu.wait_dma2 semaphore(%run_scoped3A : memref<!tpu.dma_semaphore, #tpu.memory_space<semaphore_mem>>) src(%dma_wait3A_89 : memref<256xi32, #tpu.memory_space<hbm>>) dst(%arg6 : memref<256xi32, #tpu.memory_space<vmem>>)
          tpu.yield
        }) : () -> ()
        %dma_start3A_83 = arith.constant 0 : i32
        %dma_start3A_84 = arith.constant 0 : i32
        %dma_start3A_85 = tpu.memref_slice %arg3[%dma_start3A_83, %dma_start3A_84] : memref<1000000x64xf32, #tpu.memory_space<hbm>> -> memref<1000000x64xf32, #tpu.memory_space<hbm>>
        tpu.enqueue_indirect_dma source(%dma_start3A_85 : memref<1000000x64xf32, #tpu.memory_space<hbm>>) target(%arg8 : memref<256x64xf32, #tpu.memory_space<vmem>>) offsets(%arg6 : memref<256xi32, #tpu.memory_space<vmem>>) semaphore(%arg10 : memref<!tpu.dma_semaphore, #tpu.memory_space<semaphore_mem>>)
      } else {
      }
      %dma_wait3A_33 = arith.constant 0 : i32
      %dma_wait3A_34 = arith.constant 0 : i32
      %dma_wait3A_35 = tpu.memref_slice %arg3[%dma_wait3A_33, %dma_wait3A_34] : memref<1000000x64xf32, #tpu.memory_space<hbm>> -> memref<1000000x64xf32, #tpu.memory_space<hbm>>
      tpu.wait_indirect_dma semaphore(%arg9 : memref<!tpu.dma_semaphore, #tpu.memory_space<semaphore_mem>>) src(%dma_wait3A_35 : memref<1000000x64xf32, #tpu.memory_space<hbm>>) dst(%arg7 : memref<256x64xf32, #tpu.memory_space<vmem>>)
      %mul3A_36 = arith.constant 32 : i32
      %mul3A_37 = arith.muli %add3A_24, %mul3A_36 : i32
      %add3A_38 = arith.addi %add3A, %mul3A_37 : i32
      %mul3A_39 = arith.constant 256 : i32
      %mul3A_40 = arith.muli %add3A_38, %mul3A_39 : i32
      %multiple_of3A_41 = tpu.assume_multiple %mul3A_40, 8 : i32
      %dma_start3A_42 = arith.constant 0 : i32
      %dma_start3A_43 = tpu.memref_slice %arg4[%multiple_of3A_41, %dma_start3A_42] : memref<819200x64xf32, #tpu.memory_space<hbm>> -> memref<256x64xf32, #tpu.memory_space<hbm>>
      %dma_start3A_44 = arith.constant 0 : i32
      %dma_start3A_45 = tpu.memref_slice %arg4[%multiple_of3A_41, %dma_start3A_44] : memref<819200x64xf32, #tpu.memory_space<hbm>> -> memref<256x64xf32, #tpu.memory_space<hbm>>
      tpu.enqueue_dma source(%arg7 : memref<256x64xf32, #tpu.memory_space<vmem>>) target(%dma_start3A_45 : memref<256x64xf32, #tpu.memory_space<hbm>>) target_semaphore(%arg11 : memref<!tpu.dma_semaphore, #tpu.memory_space<semaphore_mem>>)
      %mul3A_46 = arith.constant 2 : i32
      %mul3A_47 = arith.muli %mul3A_46, %scan3A_20 : i32
      %add3A_48 = arith.constant 1 : i32
      %add3A_49 = arith.addi %mul3A_47, %add3A_48 : i32
      %ge3A_50 = arith.constant 1 : i32
      %ge3A_51 = arith.cmpi sge, %add3A_49, %ge3A_50 : i32
      %convert_element_type3A_52 = arith.extui %ge3A_51 : i1 to i32
      %cond3A_53 = arith.constant 0 : i32
      %cond3A_54 = arith.cmpi ne, %convert_element_type3A_52, %cond3A_53 : i32
      scf.if %cond3A_54 {
        %sub3A = arith.constant 1 : i32
        %sub3A_75 = arith.subi %add3A_49, %sub3A : i32
        %mul3A_76 = arith.constant 32 : i32
        %mul3A_77 = arith.muli %sub3A_75, %mul3A_76 : i32
        %add3A_78 = arith.addi %add3A, %mul3A_77 : i32
        %mul3A_79 = arith.constant 256 : i32
        %mul3A_80 = arith.muli %add3A_78, %mul3A_79 : i32
        %multiple_of3A_81 = tpu.assume_multiple %mul3A_80, 8 : i32
        %dma_wait3A_82 = arith.constant 0 : i32
        %dma_wait3A_83 = tpu.memref_slice %arg4[%multiple_of3A_81, %dma_wait3A_82] : memref<819200x64xf32, #tpu.memory_space<hbm>> -> memref<256x64xf32, #tpu.memory_space<hbm>>
        %dma_wait3A_84 = arith.constant 0 : i32
        %dma_wait3A_85 = tpu.memref_slice %arg4[%multiple_of3A_81, %dma_wait3A_84] : memref<819200x64xf32, #tpu.memory_space<hbm>> -> memref<256x64xf32, #tpu.memory_space<hbm>>
        tpu.wait_dma2 semaphore(%arg11 : memref<!tpu.dma_semaphore, #tpu.memory_space<semaphore_mem>>) src(%arg7 : memref<256x64xf32, #tpu.memory_space<vmem>>) dst(%dma_wait3A_85 : memref<256x64xf32, #tpu.memory_space<hbm>>)
      } else {
      }
      %add3A_55 = arith.constant 1 : i32
      %add3A_56 = arith.addi %add3A_49, %add3A_55 : i32
      %lt3A_57 = arith.constant 100 : i32
      %lt3A_58 = arith.cmpi slt, %add3A_56, %lt3A_57 : i32
      %convert_element_type3A_59 = arith.extui %lt3A_58 : i1 to i32
      %cond3A_60 = arith.constant 0 : i32
      %cond3A_61 = arith.cmpi ne, %convert_element_type3A_59, %cond3A_60 : i32
      scf.if %cond3A_61 {
        %add3A_75 = arith.constant 1 : i32
        %add3A_76 = arith.addi %add3A_49, %add3A_75 : i32
        %mul3A_77 = arith.constant 32 : i32
        %mul3A_78 = arith.muli %add3A_76, %mul3A_77 : i32
        %add3A_79 = arith.addi %add3A, %mul3A_78 : i32
        %mul3A_80 = arith.constant 256 : i32
        %mul3A_81 = arith.muli %add3A_79, %mul3A_80 : i32
        %multiple_of3A_82 = tpu.assume_multiple %mul3A_81, 8 : i32
        "tpu.region"() ({
          %run_scoped3A = tpu.sem_alloc : memref<!tpu.dma_semaphore, #tpu.memory_space<semaphore_mem>>
          %dma_start3A_86 = tpu.memref_slice %arg2[%multiple_of3A_82] : memref<819200xi32, #tpu.memory_space<hbm>> -> memref<256xi32, #tpu.memory_space<hbm>>
          %dma_start3A_87 = tpu.memref_slice %arg2[%multiple_of3A_82] : memref<819200xi32, #tpu.memory_space<hbm>> -> memref<256xi32, #tpu.memory_space<hbm>>
          tpu.enqueue_dma source(%dma_start3A_87 : memref<256xi32, #tpu.memory_space<hbm>>) target(%arg5 : memref<256xi32, #tpu.memory_space<vmem>>) target_semaphore(%run_scoped3A : memref<!tpu.dma_semaphore, #tpu.memory_space<semaphore_mem>>)
          %dma_wait3A_88 = tpu.memref_slice %arg2[%multiple_of3A_82] : memref<819200xi32, #tpu.memory_space<hbm>> -> memref<256xi32, #tpu.memory_space<hbm>>
          %dma_wait3A_89 = tpu.memref_slice %arg2[%multiple_of3A_82] : memref<819200xi32, #tpu.memory_space<hbm>> -> memref<256xi32, #tpu.memory_space<hbm>>
          tpu.wait_dma2 semaphore(%run_scoped3A : memref<!tpu.dma_semaphore, #tpu.memory_space<semaphore_mem>>) src(%dma_wait3A_89 : memref<256xi32, #tpu.memory_space<hbm>>) dst(%arg5 : memref<256xi32, #tpu.memory_space<vmem>>)
          tpu.yield
        }) : () -> ()
        %dma_start3A_83 = arith.constant 0 : i32
        %dma_start3A_84 = arith.constant 0 : i32
        %dma_start3A_85 = tpu.memref_slice %arg3[%dma_start3A_83, %dma_start3A_84] : memref<1000000x64xf32, #tpu.memory_space<hbm>> -> memref<1000000x64xf32, #tpu.memory_space<hbm>>
        tpu.enqueue_indirect_dma source(%dma_start3A_85 : memref<1000000x64xf32, #tpu.memory_space<hbm>>) target(%arg7 : memref<256x64xf32, #tpu.memory_space<vmem>>) offsets(%arg5 : memref<256xi32, #tpu.memory_space<vmem>>) semaphore(%arg9 : memref<!tpu.dma_semaphore, #tpu.memory_space<semaphore_mem>>)
      } else {
      }
      %dma_wait3A_62 = arith.constant 0 : i32
      %dma_wait3A_63 = arith.constant 0 : i32
      %dma_wait3A_64 = tpu.memref_slice %arg3[%dma_wait3A_62, %dma_wait3A_63] : memref<1000000x64xf32, #tpu.memory_space<hbm>> -> memref<1000000x64xf32, #tpu.memory_space<hbm>>
      tpu.wait_indirect_dma semaphore(%arg10 : memref<!tpu.dma_semaphore, #tpu.memory_space<semaphore_mem>>) src(%dma_wait3A_64 : memref<1000000x64xf32, #tpu.memory_space<hbm>>) dst(%arg8 : memref<256x64xf32, #tpu.memory_space<vmem>>)
      %mul3A_65 = arith.constant 32 : i32
      %mul3A_66 = arith.muli %add3A_49, %mul3A_65 : i32
      %add3A_67 = arith.addi %add3A, %mul3A_66 : i32
      %mul3A_68 = arith.constant 256 : i32
      %mul3A_69 = arith.muli %add3A_67, %mul3A_68 : i32
      %multiple_of3A_70 = tpu.assume_multiple %mul3A_69, 8 : i32
      %dma_start3A_71 = arith.constant 0 : i32
      %dma_start3A_72 = tpu.memref_slice %arg4[%multiple_of3A_70, %dma_start3A_71] : memref<819200x64xf32, #tpu.memory_space<hbm>> -> memref<256x64xf32, #tpu.memory_space<hbm>>
      %dma_start3A_73 = arith.constant 0 : i32
      %dma_start3A_74 = tpu.memref_slice %arg4[%multiple_of3A_70, %dma_start3A_73] : memref<819200x64xf32, #tpu.memory_space<hbm>> -> memref<256x64xf32, #tpu.memory_space<hbm>>
      tpu.enqueue_dma source(%arg8 : memref<256x64xf32, #tpu.memory_space<vmem>>) target(%dma_start3A_74 : memref<256x64xf32, #tpu.memory_space<hbm>>) target_semaphore(%arg12 : memref<!tpu.dma_semaphore, #tpu.memory_space<semaphore_mem>>)
    }
    %scan3A_11 = arith.constant 50 : i32
    %add3A_12 = arith.constant 3168 : i32
    %add3A_13 = arith.addi %add3A, %add3A_12 : i32
    %mul3A_14 = arith.constant 256 : i32
    %mul3A_15 = arith.muli %add3A_13, %mul3A_14 : i32
    %multiple_of3A_16 = tpu.assume_multiple %mul3A_15, 8 : i32
    %dma_wait3A = arith.constant 0 : i32
    %dma_wait3A_17 = tpu.memref_slice %arg4[%multiple_of3A_16, %dma_wait3A] : memref<819200x64xf32, #tpu.memory_space<hbm>> -> memref<256x64xf32, #tpu.memory_space<hbm>>
    %dma_wait3A_18 = arith.constant 0 : i32
    %dma_wait3A_19 = tpu.memref_slice %arg4[%multiple_of3A_16, %dma_wait3A_18] : memref<819200x64xf32, #tpu.memory_space<hbm>> -> memref<256x64xf32, #tpu.memory_space<hbm>>
    tpu.wait_dma2 semaphore(%arg12 : memref<!tpu.dma_semaphore, #tpu.memory_space<semaphore_mem>>) src(%arg8 : memref<256x64xf32, #tpu.memory_space<vmem>>) dst(%dma_wait3A_19 : memref<256x64xf32, #tpu.memory_space<hbm>>)
    return
  }
}

</mosaic_0001>

<sc_bundles>
// kernel: kernel.3.cloned.1.call-start
scs
__scs_entry_jumppad:
0x0: {  	(pc) =	sbr.rel $0x88, $3  }
0x1: {  	(tag) =	ssettag $0x0;
	lr =	simm.s32 $0x1  }
0x2: {  	[smem:$0x3F9F] =	sst lr;
	_ =	strace $0xD0000000  }
0x3: {  	_ = 	snop  }
0x4: {  	_ = 	snop  }
0x5: {  	_ = 	snop  }
0x6: {  	_ = 	snop  }
0x7: {  	_ = 	snop  }
__scs_overlays_trampoline_lowered:
0x8: {  	[smem:$0x3FAE] =	sst s0  }
0x9: {  	[smem:$0x3FAF] =	sst s1  }
0xa: {  	[smem:$0x3FB0] =	sst s2  }
0xb: {  	[smem:$0x3FB1] =	sst s3  }
0xc: {  	[smem:$0x3FB2] =	sst s4  }
0xd: {  	[smem:$0x3FB3] =	sst s5  }
0xe: {  	[smem:$0x3FB4] =	sst s6  }
0xf: {  	[smem:$0x3FB5] =	sst s7  }
0x10: {  	[smem:$0x3FB6] =	sst s8  }
0x11: {  	[smem:$0x3FB7] =	sst s9;
	s0 =	simm.s32 @!p0 $0x0  }
0x12: {  	s1 =	sld [smem:$0x3F9D];
	s0 =	simm.s32 @p0 $0x1  }
0x13: {  	[smem:$0x3FB8] =	sst s0;
	s0 =	simm.s32 @!p1 $0x0  }
0x14: {  	s2 =	sld [smem:$0x3F9C];
	s0 =	simm.s32 @p1 $0x1  }
0x15: {  	[smem:$0x3FB9] =	sst s0;
	s0 =	simm.s32 @!p2 $0x0  }
0x16: {  	s3 =	sld [smem:$0x3FDB];
	s0 =	simm.s32 @p2 $0x1  }
0x17: {  	s4 =	simm.s32 $0x1BF5;
	[smem:$0x3FBB] =	sst s0  }
0x18: {  	s0 =	sld [smem:$0x3F9E];
	_ =	swait.ge [sflag:s4], $0x0  }
0x19: {  	s7 =	sld [smem:$0x3F9F]  }
0x1a: {  	s8 =	sadd.s32 $0xFFFFE003, lr  }
0x1b: {  	s9 =	sadd.s32 $0xFFFFFEF7, lr;
	s5 =	simm.s32 $0xFFFFFFFF;
	p2 =	slt.u32 s8, $0xFFFFF086  }
0x1c: {  	p1 =	slt.u32 s9, $0xF7A;
	s5 =	simm.s32 @!p2 $0x0  }
0x1d: {  	s5 =	simm.s32 @p1 $0x1;
	p0 =	seq.s32 s7, s2  }
0x1e: {  	s7 =	smul.u32 @!p0 $0xF7A, s2;
	p2 =	seq.s32 @!p0 s5, $0x0  }
0x1f: {  	s9 =	smul.u32 $0xF7A, s1;
	s8 =	simm.s32 @!p0 $0x1BF5;
	p2 =	por !p2, p0  }
0x20: {  	[sflag:s8] =	ssyncset.s32 @!p0 $0xFFFFF086;
	s6 =	sadd.s32 @!p0 s3, s7;
	s7 =	simm.s32 @!p0 $0x108  }
0x21: {  	s3 =	sadd.s32 s3, s9;
	s6 =	sadd.s32 @!p0 $0x88, s6;
	s7 =	simm.s32 @p2 $0x1082  }
0x22: {  	[simem:s7], [sflag:s8] =	dma.local @!p0 [hbm:s6], $0xF7A  }
0x23: {  	s9 =	sor.u32 $0xD0000000, s2;
	s6 =	simm.s32 $0x108;
	_ =	swait.ge @!p0 [sflag:s8], $0x0  }
0x24: {  	s3 =	sadd.s32 $0x88, s3;
	s6 =	simm.s32 @!p1 $0x1082;
	[sflag:s4] =	ssyncset.s32 $0xFFFFF086  }
0x25: {  	[simem:s6], [sflag:s4] =	dma.local [hbm:s3], $0xF7A  }
0x26: {  	[smem:$0x3F9F] =	sst s1;
	(tag) =	ssettag s2;
	_ =	strace s9  }
0x27: {  	s1 =	sld [smem:$0x3FAF]  }
0x28: {  	s2 =	sld [smem:$0x3FB0]  }
0x29: {  	s4 =	sld [smem:$0x3FB2]  }
0x2a: {  	p0 =	seq.s32 s5, $0x0;
	s5 =	sld [smem:$0x3FB3]  }
0x2b: {  	s6 =	sld [smem:$0x3FB4]  }
0x2c: {  	s7 =	sld [smem:$0x3FB5]  }
0x2d: {  	s3 =	simm.s32 $0x108;
	s8 =	sld [smem:$0x3FB6]  }
0x2e: {  	s3 =	simm.s32 @!p0 $0x1082;
	s9 =	sld [smem:$0x3FB7]  }
0x2f: {  	lr =	sadd.s32 s0, s3;
	s0 =	sld [smem:$0x3FAE]  }
0x30: {  	s3 =	sld [smem:$0x3FB1]  }
0x31: {  	[smem:$0x3FBA] =	sst s10  }
0x32: {  	s10 =	sld [smem:$0x3FB8];
	_ =	sdelay $0x3  }
0x33: {  	p0 =	seq.s32 s10, $0x1;
	s10 =	sld [smem:$0x3FBA];
	_ =	sdelay $0x3  }
0x34: {  	[smem:$0x3FBA] =	sst s10  }
0x35: {  	s10 =	sld [smem:$0x3FB9];
	_ =	sdelay $0x3  }
0x36: {  	p1 =	seq.s32 s10, $0x1;
	s10 =	sld [smem:$0x3FBA];
	_ =	sdelay $0x3  }
0x37: {  	[smem:$0x3FBA] =	sst s10  }
0x38: {  	s10 =	sld [smem:$0x3FBB]  }
0x39: {  	_ = 	snop;
	(pc) =	sbr.ind lr, $3  }
0x3a: {  	_ = 	snop  }
0x3b: {  	_ = 	snop  }
0x3c: {  	p2 =	seq.s32 s10, $0x1;
	s10 =	sld [smem:$0x3FBA]  }
0x3d: {  	_ =	shalt  }
0x3e: {  	_ =	shalt  }
0x3f: {  	_ =	shalt  }
0x40: {  	_ =	shalt  }
0x41: {  	_ =	shalt  }
0x42: {  	_ =	shalt  }
0x43: {  	_ =	shalt  }
0x44: {  	_ =	shalt  }
0x45: {  	_ =	shalt  }
0x46: {  	_ =	shalt  }
0x47: {  	_ =	shalt  }
0x48: {  	_ =	shalt  }
0x49: {  	_ =	shalt  }
0x4a: {  	_ =	shalt  }
0x4b: {  	_ =	shalt  }
0x4c: {  	_ =	shalt  }
0x4d: {  	_ =	shalt  }
0x4e: {  	_ =	shalt  }
0x4f: {  	_ =	shalt  }
0x50: {  	_ =	shalt  }
0x51: {  	_ =	shalt  }
0x52: {  	_ =	shalt  }
0x53: {  	_ =	shalt  }
0x54: {  	_ =	shalt  }
0x55: {  	_ =	shalt  }
0x56: {  	_ =	shalt  }
0x57: {  	_ =	shalt  }
0x58: {  	_ =	shalt  }
0x59: {  	_ =	shalt  }
0x5a: {  	_ =	shalt  }
0x5b: {  	_ =	shalt  }
0x5c: {  	_ =	shalt  }
0x5d: {  	_ =	shalt  }
0x5e: {  	_ =	shalt  }
0x5f: {  	_ =	shalt  }
0x60: {  	_ =	shalt  }
0x61: {  	_ =	shalt  }
0x62: {  	_ =	shalt  }
0x63: {  	_ =	shalt  }
0x64: {  	_ =	shalt  }
0x65: {  	_ =	shalt  }
0x66: {  	_ =	shalt  }
0x67: {  	_ =	shalt  }
0x68: {  	_ =	shalt  }
0x69: {  	_ =	shalt  }
0x6a: {  	_ =	shalt  }
0x6b: {  	_ =	shalt  }
0x6c: {  	_ =	shalt  }
0x6d: {  	_ =	shalt  }
0x6e: {  	_ =	shalt  }
0x6f: {  	_ =	shalt  }
0x70: {  	_ =	shalt  }
0x71: {  	_ =	shalt  }
0x72: {  	_ =	shalt  }
0x73: {  	_ =	shalt  }
0x74: {  	_ =	shalt  }
0x75: {  	_ =	shalt  }
0x76: {  	_ =	shalt  }
0x77: {  	_ =	shalt  }
0x78: {  	_ =	shalt  }
0x79: {  	_ =	shalt  }
0x7a: {  	_ =	shalt  }
0x7b: {  	_ =	shalt  }
0x7c: {  	_ =	shalt  }
0x7d: {  	_ =	shalt  }
0x7e: {  	_ =	shalt  }
0x7f: {  	_ =	shalt  }
0x80: {  	_ =	shalt  }
0x81: {  	_ =	shalt  }
0x82: {  	_ =	shalt  }
0x83: {  	_ =	shalt  }
0x84: {  	_ =	shalt  }
0x85: {  	_ =	shalt  }
0x86: {  	_ =	shalt  }
0x87: {  	_ =	shalt  }
.Lfunc_end0:
.L_simem_size_0:
called_computation.1_lowered:
.L_overlay_start_0:
0x88: {  	s2 =	sld [smem:$0x3FD9]  }
0x89: {  	s3 =	sld [smem:$0x3FFE];
	_ =	sdelay $0x1  }
0x8a: {  	s1 =	srdreg.scid  }
0x8b: {  	s0 =	sand.u32 $0x1, s1  }
0x8c: {  	s17 =	sshll.u32 s0, $0xA;
	s2 =	sadd.s32 s3, s2  }
0x8d: {  	s2 =	sadd.s32 s2, s17  }
0x8e: {  	[smem:$0x3FC6] =	sst s2  }
0x8f: {  	_ = 	snop  }
0x90: {  	s2 =	sld [smem:$0x3FD0];
	(tm) =	ssettm $0x1  }
0x91: {  	s18 =	sld [smem:$0x3FFB];
	_ =	sdelay $0x3  }
0x92: {  	_ =	strace s18  }
0x93: {  	s3 =	sld [smem:$0x3FFC];
	_ =	sdelay $0x3  }
0x94: {  	_ =	strace s3  }
0x95: {  	s3 =	sld [smem:$0x3FFD];
	_ =	sdelay $0x3  }
0x96: {  	_ =	strace s3  }
0x97: {  	_ =	strace $0x8FFFFFFF  }
0x98: {  	s19 =	sld [smem:$0x3FDB];
	_ =	sdelay $0x1  }
0x99: {  	s4 =	simm.s32 $_scs_section_size  }
0x9a: {  	s5 =	simm.s32 $_size__tile_overlayer_lowered;
	s6 =	simm.s32 $_tile_overlayer_lowered  }
0x9b: {  	s22 =	simm.s32 $0x1BFF;
	s21 =	sshll.u32 s6, $0x1;
	s3 =	sadd.s32 s4, s19  }
0x9c: {  	s7 =	simm.s32 $0x0;
	s20 =	sshll.u32 s5, $0x1;
	s5 =	sadd.s32 s21, s3  }
0x9d: {  	[timem:s7], [sflag:s22] =	dma.local [hbm:s5], s20  }
0x9e: {  	_ =	swait.ge [sflag:s22], s20  }
0x9f: {  	s4 =	ssub.s32 $0x0, s20;
	[sflag:s22] =	ssyncset.done $0x0  }
0xa0: {  	[sflag:s22] =	ssyncadd.s32 s4;
	_ =	sdelay $0x1  }
0xa1: {  	s23 =	simm.s32 $0x1B8B  }
0xa2: {  	_ =	swait.ge [sflag:s23], $0x1  }
0xa3: {  	[sflag:s23] =	ssyncset.done $0x0  }
0xa4: {  	s25 =	simm.s32 $0x1B8E;
	s24 =	sld [smem:$0x3FFE];
	[sflag:s23] =	ssyncadd.s32 $0xFFFFFFFF  }
0xa5: {  	s26 =	simm.s32 $execute0_lowered;
	[smem:$0x3FD2] =	sst s25  }
0xa6: {  	s5 =	sshll.u32 s26, $0x1;
	_ =	strace $0x80000046;
	[dreg:$0x1] =	wrdreg $0xFFFFFFFF  }
0xa7: {  	s28 =	simm.s32 $_size_execute0_lowered;
	s3 =	sadd.s32 s3, s5;
	[dreg:$0x0] =	wrdreg $0x0  }
0xa8: {  	s5 =	sshll.u32 s28, $0x1;
	[dreg:$0x2] =	wrdreg s3  }
0xa9: {  	[dreg:$0x3] =	wrdreg s5  }
0xaa: {  	[dreg:$0x4] =	wrdreg $0xC0  }
0xab: {  	_ =	task [dreg:s7], $0x5FFFF  }
0xac: {  	[dreg:$0x1] =	wrdreg $0xFFFFFFFF  }
0xad: {  	[dreg:$0x0] =	wrdreg $0x60  }
0xae: {  	[dreg:$0x2] =	wrdreg s24  }
0xaf: {  	[dreg:$0x3] =	wrdreg s2  }
0xb0: {  	[dreg:$0x4] =	wrdreg $0x9  }
0xb1: {  	_ =	task.clear_ibuf [dreg:s7], $0x5FFFF;
	_ =	strace $0x90000046  }
0xb2: {  	s29 =	simm.s32 $0x9;
	_ =	strace $0x80000048  }
0xb3: {  	_ =	swait.ge [sflag:s29], $0x1  }
0xb4: {  	[sflag:s29] =	ssyncadd.s32 $0xFFFFFFFF  }
0xb5: {  	_ =	strace $0x90000048  }
0xb6: {  	_ =	sfence  }
0xb7: {  	s30 =	sld [smem:$0x0];
	_ =	sdelay $0x2  }
0xb8: {  	s31 =	sshll.u32 s1, $0xD;
	s1 =	sshrl.u32 s1, $0x2  }
0xb9: {  	s3 =	sand.u32 $0x4000, s31;
	s1 =	sadd.s32 s1, s30  }
0xba: {  	s0 =	sor.u32 s3, s0;
	s1 =	sshll.u32 s1, $0x11  }
0xbb: {  	s0 =	sor.u32 s1, s0  }
0xbc: {  	s0 =	sadd.s32 $0x8F2B, s0  }
0xbd: {  	[sflag:s0] =	ssyncadd.remote.s32 $0x1  }
0xbe: {  	_ =	sfence.sel $0xFFFF  }
0xbf: {  	[dreg:$0x0] =	wrdreg $0xFFFFFFFF;
	(pc) =	sbr.abs _section_cstart, $3  }
0xc0: {  	[dreg:$0x1] =	wrdreg $0xFFFFFFFF  }
0xc1: {  	_ =	task.clear_ibuf [dreg:s7], $0x2FFFF;
	_ =	strace $0x9FFFFFFF  }
0xc2: {  	(tm) =	ssettm $0x7FFFFFFF  }
0xc3: {  	_ =	shalt  }
tec
execute0_lowered:
.L_overlay_start_1:
0x0: {  	(tag) =	ssettag $0x1  }
0x1: {  	s3 =	rddreg [dreg:$0x0]  }
0x2: {  	s12 =	rddreg [dreg:$0x1]  }
0x3: {  	s0 =	rddreg [dreg:$0x2]  }
0x4: {  	s2 =	simm.s32 $0x0;
	s4 =	srdreg.scid;
	s1 =	stileid.u32  }
0x5: {  	s17 =	simm.s32 $0x200;
	s18 =	simm.s32 $0x4200;
	s19 =	simm.s32 $0x1  }
0x6: {  	s20 =	simm.s32 $0x3;
	s21 =	simm.s32 $0x2;
	s22 =	simm.s32 $0x4  }
0x7: {  	s23 =	simm.s32 $0x0;
	[smem:$0x7FF] =	sst s2;
	s13 =	sand.u32 $0x1, s4  }
0x8: {  	s30 =	sshll.u32 s1, $0x1;
	s14 =	sadd.s32 $0xA00, s3;
	s3 =	sadd.s32 $0xF42E00, s3  }
0x9: {  	s15 =	sshll.u32 s1, $0xC;
	s16 =	sshll.u32 s1, $0x6;
	_ =	strace $0x80000047  }
0xa: {  	s5 =	sor.u32 s13, s30;
	s6 =	ssub.s32 $0x2, s13;
	s31 =	sshll.u32 s13, $0xB  }
0xb: {  	s13 =	sshll.u32 s13, $0x5;
	s4 =	sshll.u32 s5, $0x5;
	s7 =	sshrl.u32 s6, $0x1  }
0xc: {  	s5 =	sshll.u32 s5, $0xB;
	s4 =	sadd.s32 s14, s4;
	s7 =	ssub.s32 s6, s7  }
0xd: {  	s5 =	sadd.s32 s12, s5;
	s12 =	sadd.s32 s15, s12;
	s14 =	sadd.s32 s16, s14  }
0xe: {  	s16 =	simm.s32 $0x100;
	s6 =	sadd.s32 $0x800, s4;
	s7 =	smax.u32 s7, $0x1  }
0xf: {  	s8 =	sadd.s32 $0x400, s4;
	s9 =	sadd.s32 $0x10000, s5;
	s10 =	sadd.s32 $0x18C00, s4  }
0x10: {  	s11 =	sadd.s32 $0x620000, s5;
	s15 =	sadd.s32 s31, s12;
	s12 =	sadd.s32 $0x630000, s5  }
0x11: {  	s13 =	sadd.s32 s13, s14;
	s14 =	sadd.s32 $0x20000, s15;
	s15 =	simm.s32 $0x5  }
.LBB2_1:
0x12: {  	[tilespmem:s2], [sflag:$0x5] =	stream.linear.gather [hbm4b:s4+s2], $0x100, $0x38;
	[tilespmem:$0x8200] =	vst v63  }
0x13: {  	_ =	swait.ge [sflag:s15], $0x100  }
0x14: {  	[sflag:s15] =	ssyncset.done $0x0  }
0x15: {  	[sflag:s15] =	ssyncadd.s32 $0xFFFFFF00  }
0x16: {  	[tilespmem:s17], [sflag:$0x1] =	stream.indirect.gather [hbm4b:s3+s16], $0x40, s2, s16, $0xb8;
	[tilespmem:$0x8200] =	vst v63  }
0x17: {  	_ = 	snop  }
0x18: {  	[tilespmem:s16], [sflag:$0x5] =	stream.linear.gather [hbm4b:s8+s2], $0x100, $0x38;
	[tilespmem:$0x8200] =	vst v63  }
0x19: {  	_ =	swait.ge [sflag:s15], $0x100  }
0x1a: {  	[sflag:s15] =	ssyncset.done $0x0  }
0x1b: {  	[sflag:s15] =	ssyncadd.s32 $0xFFFFFF00  }
0x1c: {  	[tilespmem:s18], [sflag:$0x2] =	stream.indirect.gather [hbm4b:s3+s16], $0x40, s16, s16, $0xb8;
	[tilespmem:$0x8200] =	vst v63  }
0x1d: {  	_ =	swait.ge [sflag:s19], $0x4000  }
0x1e: {  	[sflag:s19] =	ssyncset.done $0x0  }
0x1f: {  	[sflag:s19] =	ssyncadd.s32 $0xFFFFC000  }
0x20: {  	[hbm4b:s5+s2] =	stream.linear.scatter [tilespmem:s17], [sflag:$0x3], $0x4000, $0x38;
	[tilespmem:$0x8200] =	vst v63  }
0x21: {  	_ =	swait.ge [sflag:s20], $0x4000  }
0x22: {  	[sflag:s20] =	ssyncset.done $0x0  }
0x23: {  	[sflag:s20] =	ssyncadd.s32 $0xFFFFC000  }
0x24: {  	[tilespmem:s2], [sflag:$0x5] =	stream.linear.gather [hbm4b:s6+s2], $0x100, $0x38;
	[tilespmem:$0x8200] =	vst v63  }
0x25: {  	_ =	swait.ge [sflag:s15], $0x100  }
0x26: {  	[sflag:s15] =	ssyncset.done $0x0  }
0x27: {  	[sflag:s15] =	ssyncadd.s32 $0xFFFFFF00  }
0x28: {  	[tilespmem:s17], [sflag:$0x1] =	stream.indirect.gather [hbm4b:s3+s16], $0x40, s2, s16, $0xb8;
	[tilespmem:$0x8200] =	vst v63  }
0x29: {  	_ =	swait.ge [sflag:s21], $0x4000  }
0x2a: {  	[sflag:s21] =	ssyncset.done $0x0  }
0x2b: {  	[sflag:s21] =	ssyncadd.s32 $0xFFFFC000  }
0x2c: {  	[hbm4b:s9+s2] =	stream.linear.scatter [tilespmem:s18], [sflag:$0x4], $0x4000, $0x38;
	[tilespmem:$0x8200] =	vst v63  }
0x2d: {  	_ =	swait.ge [sflag:s22], $0x4000  }
0x2e: {  	s24 =	sadd.s32 $0x0, s13;
	[sflag:s22] =	ssyncset.done $0x0  }
0x2f: {  	s25 =	sadd.s32 $0xC00, s24;
	[sflag:s22] =	ssyncadd.s32 $0xFFFFC000  }
0x30: {  	[tilespmem:s16], [sflag:$0x5] =	stream.linear.gather [hbm4b:s25+s2], $0x100, $0x38;
	[tilespmem:$0x8200] =	vst v63  }
0x31: {  	_ =	swait.ge [sflag:s15], $0x100  }
0x32: {  	[sflag:s15] =	ssyncset.done $0x0  }
0x33: {  	[sflag:s15] =	ssyncadd.s32 $0xFFFFFF00  }
0x34: {  	[tilespmem:s18], [sflag:$0x2] =	stream.indirect.gather [hbm4b:s3+s16], $0x40, s16, s16, $0xb8;
	[tilespmem:$0x8200] =	vst v63  }
0x35: {  	_ =	swait.ge [sflag:s19], $0x4000  }
0x36: {  	[sflag:s19] =	ssyncset.done $0x0  }
0x37: {  	[sflag:s19] =	ssyncadd.s32 $0xFFFFC000  }
0x38: {  	[hbm4b:s14+s2] =	stream.linear.scatter [tilespmem:s17], [sflag:$0x3], $0x4000, $0x38;
	[tilespmem:$0x8200] =	vst v63  }
0x39: {  	_ =	swait.ge [sflag:s20], $0x4000  }
0x3a: {  	[sflag:s20] =	ssyncset.done $0x0  }
0x3b: {  	s24 =	sadd.s32 $0x1000, s24;
	[sflag:s20] =	ssyncadd.s32 $0xFFFFC000  }
0x3c: {  	[tilespmem:s2], [sflag:$0x5] =	stream.linear.gather [hbm4b:s24+s2], $0x100, $0x38;
	[tilespmem:$0x8200] =	vst v63  }
0x3d: {  	_ =	swait.ge [sflag:s15], $0x100  }
0x3e: {  	[sflag:s15] =	ssyncset.done $0x0  }
0x3f: {  	[sflag:s15] =	ssyncadd.s32 $0xFFFFFF00  }
0x40: {  	[tilespmem:s17], [sflag:$0x1] =	stream.indirect.gather [hbm4b:s3+s16], $0x40, s2, s16, $0xb8;
	[tilespmem:$0x8200] =	vst v63  }
0x41: {  	_ =	swait.ge [sflag:s21], $0x4000  }
0x42: {  	s26 =	sadd.s32 $0x10000, s14;
	[sflag:s21] =	ssyncset.done $0x0  }
0x43: {  	s25 =	sadd.s32 $0x20000, s14;
	s24 =	simm.s32 $0x800;
	[sflag:s21] =	ssyncadd.s32 $0xFFFFC000  }
.LBB2_2:
0x44: {  	[hbm4b:s26+s2] =	stream.linear.scatter [tilespmem:s18], [sflag:$0x4], $0x4000, $0x38;
	[tilespmem:$0x8200] =	vst v63  }
0x45: {  	s26 =	smov.u32 s24  }
0x46: {  	p0 =	sne.s32 s24, $0x17800;
	s24 =	sadd.s32 $0x800, s24;
	_ =	swait.ge [sflag:s22], $0x4000  }
0x47: {  	s26 =	sadd.s32 s26, s13;
	[sflag:s22] =	ssyncset.done $0x0  }
0x48: {  	s28 =	sadd.s32 $0xC00, s26;
	[sflag:s22] =	ssyncadd.s32 $0xFFFFC000  }
0x49: {  	[tilespmem:s16], [sflag:$0x5] =	stream.linear.gather [hbm4b:s28+s2], $0x100, $0x38;
	[tilespmem:$0x8200] =	vst v63  }
0x4a: {  	_ =	swait.ge [sflag:s15], $0x100  }
0x4b: {  	[sflag:s15] =	ssyncset.done $0x0  }
0x4c: {  	[sflag:s15] =	ssyncadd.s32 $0xFFFFFF00  }
0x4d: {  	[tilespmem:s18], [sflag:$0x2] =	stream.indirect.gather [hbm4b:s3+s16], $0x40, s16, s16, $0xb8;
	[tilespmem:$0x8200] =	vst v63  }
0x4e: {  	_ =	swait.ge [sflag:s19], $0x4000  }
0x4f: {  	[sflag:s19] =	ssyncset.done $0x0  }
0x50: {  	[sflag:s19] =	ssyncadd.s32 $0xFFFFC000  }
0x51: {  	[hbm4b:s25+s2] =	stream.linear.scatter [tilespmem:s17], [sflag:$0x3], $0x4000, $0x38;
	[tilespmem:$0x8200] =	vst v63  }
0x52: {  	_ =	swait.ge [sflag:s20], $0x4000  }
0x53: {  	[sflag:s20] =	ssyncset.done $0x0  }
0x54: {  	s26 =	sadd.s32 $0x1000, s26;
	[sflag:s20] =	ssyncadd.s32 $0xFFFFC000  }
0x55: {  	[tilespmem:s2], [sflag:$0x5] =	stream.linear.gather [hbm4b:s26+s2], $0x100, $0x38;
	[tilespmem:$0x8200] =	vst v63  }
0x56: {  	_ =	swait.ge [sflag:s15], $0x100  }
0x57: {  	[sflag:s15] =	ssyncset.done $0x0  }
.Ltmp0:
0x58: {  	[sflag:s15] =	ssyncadd.s32 $0xFFFFFF00;
	(pc) =	sbr.rel @p0 .LBB2_2-.Ltmp0, $4  }
0x59: {  	[tilespmem:s17], [sflag:$0x1] =	stream.indirect.gather [hbm4b:s3+s16], $0x40, s2, s16, $0xb8;
	[tilespmem:$0x8200] =	vst v63  }
0x5a: {  	_ =	swait.ge [sflag:s21], $0x4000  }
0x5b: {  	[sflag:s21] =	ssyncset.done $0x0  }
0x5c: {  	s26 =	sadd.s32 $0x10000, s25;
	s25 =	sadd.s32 $0x20000, s25;
	[sflag:s21] =	ssyncadd.s32 $0xFFFFC000  }
0x5d: {  	[hbm4b:s26+s2] =	stream.linear.scatter [tilespmem:s18], [sflag:$0x4], $0x4000, $0x38;
	[tilespmem:$0x8200] =	vst v63  }
0x5e: {  	_ =	swait.ge [sflag:s22], $0x4000  }
0x5f: {  	[sflag:s22] =	ssyncset.done $0x0  }
0x60: {  	[sflag:s22] =	ssyncadd.s32 $0xFFFFC000  }
0x61: {  	[tilespmem:s16], [sflag:$0x5] =	stream.linear.gather [hbm4b:s10+s2], $0x100, $0x38;
	[tilespmem:$0x8200] =	vst v63  }
0x62: {  	_ =	swait.ge [sflag:s15], $0x100  }
0x63: {  	[sflag:s15] =	ssyncset.done $0x0  }
0x64: {  	[sflag:s15] =	ssyncadd.s32 $0xFFFFFF00  }
0x65: {  	[tilespmem:s18], [sflag:$0x2] =	stream.indirect.gather [hbm4b:s3+s16], $0x40, s16, s16, $0xb8;
	[tilespmem:$0x8200] =	vst v63  }
0x66: {  	_ =	swait.ge [sflag:s19], $0x4000  }
0x67: {  	[sflag:s19] =	ssyncset.done $0x0  }
0x68: {  	[sflag:s19] =	ssyncadd.s32 $0xFFFFC000  }
0x69: {  	[hbm4b:s11+s2] =	stream.linear.scatter [tilespmem:s17], [sflag:$0x3], $0x4000, $0x38;
	[tilespmem:$0x8200] =	vst v63  }
0x6a: {  	_ =	swait.ge [sflag:s20], $0x4000  }
0x6b: {  	[sflag:s20] =	ssyncset.done $0x0  }
0x6c: {  	[sflag:s20] =	ssyncadd.s32 $0xFFFFC000  }
0x6d: {  	s23 =	sadd.s32 $0x1, s23;
	_ =	swait.ge [sflag:s21], $0x4000  }
0x6e: {  	p0 =	sne.s32 s23, s7;
	[sflag:s21] =	ssyncset.done $0x0  }
.Ltmp1:
0x6f: {  	[sflag:s21] =	ssyncadd.s32 $0xFFFFC000;
	(pc) =	sbr.rel @p0 .LBB2_1-.Ltmp1, $4  }
0x70: {  	[hbm4b:s12+s2] =	stream.linear.scatter [tilespmem:s18], [sflag:$0x4], $0x4000, $0x38;
	[tilespmem:$0x8200] =	vst v63  }
0x71: {  	_ =	swait.ge [sflag:s22], $0x4000  }
0x72: {  	[sflag:s22] =	ssyncset.done $0x0  }
0x73: {  	[sflag:s22] =	ssyncadd.s32 $0xFFFFC000  }
0x74: {  	_ =	sfence.sel $0x180000  }
0x75: {  	[bflag:$0x0] =	sbarrier.arrive $0xFFFF  }
0x76: {  	p0 =	sne.s32 s1, $0x0;
	_ =	strace $0x90000047  }
0x77: {  	s0 =	sadd.s32 @!p0 $0x100000, s0;
	[bflag:$0x2] =	sbarrier.arrive $0xFFFF  }
0x78: {  	[sflag:s0] =	ssyncadd.tile.s32 @!p0 $0x1;
	_ =	shalt  }
.Lfunc_end2:
_tile_overlayer_lowered:
.L_overlay_start_2:
0x79: {  	(tag) =	ssettag $0x2  }
0x7a: {  	s0 =	rddreg [dreg:$0x0];
	s2 =	stileid.u32  }
0x7b: {  	s1 =	rddreg [dreg:$0x1];
	p0 =	sne.s32 s2, $0x0  }
0x7c: {  	s3 =	rddreg [dreg:$0x2];
	[bflag:$0x3] =	sbarrier.arrive $0xFFFF;
	s2 =	simm.s32 @!p0 $0x1C05  }
0x7d: {  	[timem:s3], [sflag:s2] =	dma.local @!p0 [hbm:s0], s1  }
0x7e: {  	s0 =	simm.s32 @!p0 $0x5  }
0x7f: {  	_ =	swait.ge @!p0 [sflag:s0], s1  }
0x80: {  	s1 =	ssub.s32 @!p0 $0x0, s1;
	[sflag:s0] =	ssyncset.done @!p0 $0x0  }
0x81: {  	[sflag:s0] =	ssyncadd.s32 @!p0 s1  }
0x82: {  	[bflag:$0x3] =	sbarrier.arrive $0xFFFF  }
0x83: {  	_ =	shalt  }

// kernel: sparse-core-data-format-call.cloned.1.call-start
scs
called_computation_lowered:
.L_overlay_start_0:
0x0: {  	s2 =	sld [smem:$0x3FD9]  }
0x1: {  	s3 =	sld [smem:$0x3FFE];
	_ =	sdelay $0x1  }
0x2: {  	s1 =	srdreg.scid  }
0x3: {  	s0 =	sand.u32 $0x1, s1  }
0x4: {  	s18 =	sshll.u32 s0, $0xA;
	s2 =	sadd.s32 s3, s2  }
0x5: {  	s2 =	sadd.s32 s2, s18  }
0x6: {  	[smem:$0x3FC6] =	sst s2  }
0x7: {  	_ = 	snop  }
0x8: {  	s2 =	sld [smem:$0x3FD0];
	(tm) =	ssettm $0x1  }
0x9: {  	s19 =	sld [smem:$0x3FFB];
	_ =	sdelay $0x3  }
0xa: {  	_ =	strace s19  }
0xb: {  	s3 =	sld [smem:$0x3FFC];
	_ =	sdelay $0x3  }
0xc: {  	_ =	strace s3  }
0xd: {  	s3 =	sld [smem:$0x3FFD];
	_ =	sdelay $0x3  }
0xe: {  	_ =	strace s3  }
0xf: {  	_ =	strace $0x8FFFFFFF  }
0x10: {  	s20 =	sld [smem:$0x3FDB];
	_ =	sdelay $0x1  }
0x11: {  	s4 =	simm.s32 $_scs_section_size  }
0x12: {  	s5 =	simm.s32 $_size__tile_overlayer_lowered;
	s6 =	simm.s32 $_tile_overlayer_lowered  }
0x13: {  	s23 =	simm.s32 $0x1BFF;
	s22 =	sshll.u32 s6, $0x1;
	s3 =	sadd.s32 s4, s20  }
0x14: {  	s7 =	simm.s32 $0x0;
	s21 =	sshll.u32 s5, $0x1;
	s5 =	sadd.s32 s22, s3  }
0x15: {  	[timem:s7], [sflag:s23] =	dma.local [hbm:s5], s21  }
0x16: {  	_ =	swait.ge [sflag:s23], s21  }
0x17: {  	s4 =	ssub.s32 $0x0, s21;
	[sflag:s23] =	ssyncset.done $0x0  }
0x18: {  	[sflag:s23] =	ssyncadd.s32 s4;
	_ =	sdelay $0x1  }
0x19: {  	s24 =	simm.s32 $0x1B8B  }
0x1a: {  	_ =	swait.ge [sflag:s24], $0x1  }
0x1b: {  	[sflag:s24] =	ssyncset.done $0x0  }
0x1c: {  	s26 =	simm.s32 $0x1B8E;
	s25 =	sld [smem:$0x3FFE];
	[sflag:s24] =	ssyncadd.s32 $0xFFFFFFFF  }
0x1d: {  	s27 =	simm.s32 $execute0_lowered;
	[smem:$0x3FD2] =	sst s26  }
0x1e: {  	s5 =	sshll.u32 s27, $0x1;
	_ =	strace $0x80000049;
	[dreg:$0x1] =	wrdreg $0xFFFFFFFF  }
0x1f: {  	s28 =	simm.s32 $_size_execute0_lowered;
	s3 =	sadd.s32 s3, s5;
	[dreg:$0x0] =	wrdreg $0x0  }
0x20: {  	s5 =	sshll.u32 s28, $0x1;
	[dreg:$0x2] =	wrdreg s3  }
0x21: {  	[dreg:$0x3] =	wrdreg s5  }
0x22: {  	[dreg:$0x4] =	wrdreg $0xC0  }
0x23: {  	_ =	task [dreg:s7], $0x5FFFF  }
0x24: {  	[dreg:$0x1] =	wrdreg $0xFFFFFFFF  }
0x25: {  	[dreg:$0x0] =	wrdreg $0x60  }
0x26: {  	[dreg:$0x2] =	wrdreg s25  }
0x27: {  	[dreg:$0x3] =	wrdreg s2  }
0x28: {  	[dreg:$0x4] =	wrdreg $0x9  }
0x29: {  	_ =	task.clear_ibuf [dreg:s7], $0x5FFFF;
	_ =	strace $0x90000049  }
0x2a: {  	s29 =	simm.s32 $0x9;
	_ =	strace $0x8000004B  }
0x2b: {  	_ =	swait.ge [sflag:s29], $0x1  }
0x2c: {  	[sflag:s29] =	ssyncadd.s32 $0xFFFFFFFF  }
0x2d: {  	_ =	strace $0x9000004B  }
0x2e: {  	_ =	sfence  }
0x2f: {  	s30 =	sld [smem:$0x0];
	_ =	sdelay $0x2  }
0x30: {  	s31 =	sshll.u32 s1, $0xD;
	s1 =	sshrl.u32 s1, $0x2  }
0x31: {  	s3 =	sand.u32 $0x4000, s31;
	s1 =	sadd.s32 s1, s30  }
0x32: {  	s0 =	sor.u32 s3, s0;
	s1 =	sshll.u32 s1, $0x11  }
0x33: {  	s0 =	sor.u32 s1, s0  }
0x34: {  	s0 =	sadd.s32 $0x8F2B, s0  }
0x35: {  	[sflag:s0] =	ssyncadd.remote.s32 $0x1  }
0x36: {  	_ =	sfence.sel $0xFFFF  }
0x37: {  	[dreg:$0x0] =	wrdreg $0xFFFFFFFF;
	(pc) =	sbr.abs _section_cstart, $3  }
0x38: {  	[dreg:$0x1] =	wrdreg $0xFFFFFFFF  }
0x39: {  	_ =	task.clear_ibuf [dreg:s7], $0x2FFFF;
	_ =	strace $0x9FFFFFFF  }
0x3a: {  	(tm) =	ssettm $0x7FFFFFFF  }
0x3b: {  	_ =	shalt  }
tec
execute0_lowered:
.L_overlay_start_1:
0x0: {  	(tag) =	ssettag $0x1  }
0x1: {  	s0 =	srdreg.scid  }
0x2: {  	s1 =	sshll.u32 s0, $0x4  }
0x3: {  	s5 =	rddreg [dreg:$0x0];
	s0 =	stileid.u32;
	s1 =	sand.u32 $0x10, s1  }
0x4: {  	s3 =	rddreg [dreg:$0x1];
	s31 =	simm.s32 $0x2;
	s4 =	sor.u32 s0, s1  }
0x5: {  	s13 =	simm.s32 $0x0;
	s9 =	simm.s32 $0x400;
	s2 =	sshll.u32 s4, $0x7  }
0x6: {  	s10 =	simm.s32 $0x8000;
	s14 =	simm.s32 $0x0;
	s6 =	ssub.s32 $0x1000, s2  }
0x7: {  	s1 =	rddreg [dreg:$0x2];
	_ =	strace $0x8000004A;
	s7 =	sand.u32 $0xF80, s6  }
0x8: {  	s4 =	sshll.u32 s4, $0xB;
	p0 =	sne.s32 s7, $0x0;
	s7 =	simm.s32 $0x1  }
.Ltmp0:
0x9: {  	s6 =	sshrl.u32 s6, $0xC;
	s7 =	simm.s32 @!p0 $0x0;
	(pc) =	sbr.rel .LBB1_1-.Ltmp0, $4  }
0xa: {  	s8 =	sadd.s32 s4, s5;
	s4 =	simm.s32 $0x1;
	s30 =	sadd.s32 s7, s6  }
0xb: {  	s11 =	simm.s32 $0x0;
	[sflag:s4] =	ssyncpa.u1 $0x0;
	s5 =	smul.u32 $0x64, s30  }
0xc: {  	s12 =	simm.s32 $0x0;
	[sflag:s31] =	ssyncpa.u1 $0x0;
	p0 =	por $0x0, $0x0  }
0xd: {  	s6 =	sadd.s32 $0xA00, s8;
	s7 =	sadd.s32 $0x10A00, s8;
	s8 =	sor.u32 $0x1, s5  }
.LBB1_7:
0xe: {  	s15 =	sadd.s32 $0x2, s11  }
0xf: {  	p2 =	sgt.s32 s15, $0xC7  }
0x10: {  	s15 =	simm.s32 @p2 $0x0;
	p2 =	sne.s32 s12, s8  }
.Ltmp1:
0x11: {  	p1 =	slt.u32 s12, $0x2;
	(pc) =	sbr.rel @!p2 .LBB1_8-.Ltmp1, $4  }
0x12: {  	s13 =	simm.s32 @!p1 $0x2  }
0x13: {  	s16 =	sadd.s32 $0x1, s12;
	s14 =	smov.u32 s11;
	_ =	swait.ge @!p1 [sflag:s13], $0x4000  }
0x14: {  	p0 =	por !p0, !p0;
	s12 =	smov.u32 s16;
	[sflag:s13] =	ssyncset.done @!p1 $0x0  }
0x15: {  	s11 =	smov.u32 s15;
	[sflag:s13] =	ssyncadd.s32 @!p1 $0xFFFFC000;
	s13 =	smov.u32 s2  }
.LBB1_1:
0x16: {  	p1 =	sge.u32 s12, s5  }
0x17: {  	s15 =	sxor.u32 @!p1 $0xFFFFFFFF, s12  }
0x18: {  	s16 =	sshll.u32 @!p1 s11, $0x10;
	s18 =	simm.s32 @!p1 $0x40;
	s15 =	sshll.u32 @!p1 s15, $0xE  }
0x19: {  	s19 =	simm.s32 @!p1 $0x80;
	s17 =	sadd.s32 @!p1 s16, s6;
	s15 =	sand.u32 @!p1 $0x4000, s15  }
0x1a: {  	[tilespmem:s15], [sflag:$0x1] =	stream.strided.gather @!p1 [hbm4b:s17+s18], $0x2000, s19, s18, $0x38;
	[tilespmem:$0x10100] =	vst v63  }
0x1b: {  	s31 =	sadd.s32 $0xFFFFFFFF, s12;
	s16 =	sadd.s32 @!p1 s16, s7;
	s15 =	sor.u32 @!p1 $0x2000, s15  }
0x1c: {  	[tilespmem:s15], [sflag:$0x1] =	stream.strided.gather @!p1 [hbm4b:s16+s18], $0x2000, s19, s18, $0x38;
	[tilespmem:$0x10100] =	vst v63  }
0x1d: {  	p1 =	sge.u32 s31, s5  }
.Ltmp2:
0x1e: {  	_ = 	snop;
	(pc) =	sbr.rel @p1 .LBB1_7-.Ltmp2, $1  }
0x1f: {  	_ =	sdelay $0x3  }
0x20: {  	s15 =	simm.s32 $0x1;
	s17 =	sand.u32 $0x1, s12  }
0x21: {  	_ =	swait.ge [sflag:s4], $0x4000;
	s15 =	simm.s32 @!p0 $0x0;
	s17 =	smul.u32 $0x10200, s17  }
0x22: {  	p2 =	por $0x1, $0x1;
	[sflag:s4] =	ssyncset.done $0x0;
	s16 =	smul.u32 $0x10200, s15  }
0x23: {  	s18 =	sshll.u32 s15, $0x10;
	[sflag:s4] =	ssyncadd.s32 $0xFFFFC000;
	s30 =	sshrl.u32 s17, $0x2  }
0x24: {  	s31 =	sshrl.u32 s18, $0x2;
	s18 =	simm.s32 $0x0;
	s16 =	sshrl.u32 s16, $0x2  }
0x25: {  	s15 =	sor.u32 $0x8000, s30;
	s17 =	sadd.s32 $0x20, s31;
	s16 =	sor.u32 $0x8000, s16  }
.LBB1_3:
0x26: {  	s19 =	sshll.u32 s18, $0xD  }
0x27: {  	s19 =	sand.u32 $0x3FFFE000, s19  }
0x28: {  	s21 =	sadd.s32 s19, s17  }
0x29: {  	s31 =	smul.u32 $0x8100, s18;
	v3 =	vld [tilespmem:s21+$0x10]  }
0x2a: {  	v1 =	vld [tilespmem:s21+$0xFFFFFFF0]  }
0x2b: {  	s18 =	sshra.s32 s31, $0x2;
	v0 =	vld [tilespmem:s21+$0x0]  }
0x2c: {  	s18 =	sadd.s32 s18, s16;
	v2 =	vld [tilespmem:s21+$0xFFFFFFE0]  }
0x2d: {  	s19 =	sadd.s32 $0x0, s18  }
0x2e: {  	p1 =	por p2, p2;
	s20 =	simm.s32 $0x4;
	s21 =	sadd.s32 $0x40, s21;
	[tilespmem:s19+$0x1830 ss:$0x81] =	vst.msk $0xffff, v3  }
.LBB1_4:
0x2f: {  	v3 =	vld [tilespmem:s21+$0x10];
	p2 =	sne.s32 s20, $0x1FC;
	[tilespmem:s19+$0x810 ss:$0x81] =	vst.msk $0xffff, v1;
	s22 =	smov.u32 s20;
	s20 =	sadd.s32 $0x4, s20  }
.Ltmp3:
0x30: {  	v1 =	vld [tilespmem:s21+$0xFFFFFFF0];
	[tilespmem:s19+$0x1020 ss:$0x81] =	vst.msk $0xffff, v0;
	(pc) =	sbr.rel @p2 .LBB1_4-.Ltmp3, $4  }
0x31: {  	v0 =	vld [tilespmem:s21+$0x0];
	[tilespmem:s19+$0x0 ss:$0x81] =	vst.msk $0xffff, v2  }
0x32: {  	s19 =	sshra.s32 s22, $0x2;
	v2 =	vld [tilespmem:s21+$0xFFFFFFE0]  }
0x33: {  	s19 =	sadd.s32 s19, s18  }
0x34: {  	s21 =	sadd.s32 $0x40, s21;
	[tilespmem:s19+$0x1830 ss:$0x81] =	vst.msk $0xffff, v3  }
.Ltmp4:
0x35: {  	(pc) =	sbr.rel @p1 .LBB1_3-.Ltmp4, $4  }
0x36: {  	_ = 	snop  }
0x37: {  	[tilespmem:s19+$0x810 ss:$0x81] =	vst.msk $0xffff, v1  }
0x38: {  	[tilespmem:s19+$0x1020 ss:$0x81] =	vst.msk $0xffff, v0  }
0x39: {  	s18 =	simm.s32 $0x1;
	p2 =	por $0x0, $0x0;
	[tilespmem:s19+$0x0 ss:$0x81] =	vst.msk $0xffff, v2  }
.Ltmp5:
0x3a: {  	(pc) =	sbr.rel .LBB1_7-.Ltmp5, $4  }
0x3b: {  	s14 =	sshll.u32 s14, $0xF  }
0x3c: {  	s14 =	sadd.s32 s3, s14  }
0x3d: {  	s13 =	sadd.s32 s13, s14  }
0x3e: {  	[hbm4b:s13+s9] =	stream.strided.scatter [tilespmem:s15], [sflag:$0x2], $0x4000, s10, s9, $0x20;
	[tilespmem:$0x10100] =	vst v63  }
.LBB1_8:
0x3f: {  	_ =	sfence.sel $0x180000  }
0x40: {  	s2 =	simm.s32 $0x1;
	[bflag:$0x0] =	sbarrier.arrive $0xFFFF  }
0x41: {  	s31 =	simm.s32 $0x2;
	[sflag:s2] =	ssyncpa.u1 $0x1  }
0x42: {  	[sflag:s31] =	ssyncpa.u1 $0x1  }
0x43: {  	p0 =	sne.s32 s0, $0x0;
	_ =	strace $0x9000004A  }
0x44: {  	s0 =	sadd.s32 @!p0 $0x100000, s1;
	[bflag:$0x2] =	sbarrier.arrive $0xFFFF  }
0x45: {  	[sflag:s0] =	ssyncadd.tile.s32 @!p0 $0x1;
	_ =	shalt  }
.Lfunc_end1:
_tile_overlayer_lowered:
.L_overlay_start_2:
0x46: {  	(tag) =	ssettag $0x2  }
0x47: {  	s0 =	rddreg [dreg:$0x0];
	s2 =	stileid.u32  }
0x48: {  	s1 =	rddreg [dreg:$0x1];
	p0 =	sne.s32 s2, $0x0  }
0x49: {  	s3 =	rddreg [dreg:$0x2];
	[bflag:$0x3] =	sbarrier.arrive $0xFFFF;
	s2 =	simm.s32 @!p0 $0x1C01  }
0x4a: {  	[timem:s3], [sflag:s2] =	dma.local @!p0 [hbm:s0], s1  }
0x4b: {  	s0 =	simm.s32 @!p0 $0x1  }
0x4c: {  	_ =	swait.ge @!p0 [sflag:s0], s1  }
0x4d: {  	s1 =	ssub.s32 @!p0 $0x0, s1;
	[sflag:s0] =	ssyncset.done @!p0 $0x0  }
0x4e: {  	[sflag:s0] =	ssyncadd.s32 @!p0 s1  }
0x4f: {  	[bflag:$0x3] =	sbarrier.arrive $0xFFFF  }
0x50: {  	_ =	shalt  }

</sc_bundles>
